<compile_context>
chip_gen: v7x
topology: tpu7x:2x2x1
jax: 0.10.2.dev20260603
libtpu: 0.0.44.dev20260713+nightly
codegen_flags: <defaults>
</compile_context>

<pallas_src>
import numpy as np
import jax
import jax.numpy as jnp
from jax.experimental import pallas as pl

_D = 32
_HALF = _D // 2
_PACK = 4
_W = _D * _PACK


def _fused_body(t_ref, b_ref, tab_ref, w1_ref, b1_ref, w2_ref, b2_ref, o_ref):
    ti = t_ref[...]
    bi = b_ref[...].astype(jnp.float32)

    grp = jax.lax.broadcasted_iota(jnp.int32, (_PACK, _W), 1) // _D
    row = jax.lax.broadcasted_iota(jnp.int32, (_PACK, _W), 0)
    R = (grp == row).astype(jnp.float32)
    t4 = jnp.dot(ti, R, preferred_element_type=jnp.float32)
    b4 = jnp.dot(bi, R, preferred_element_type=jnp.float32)

    lane = jax.lax.broadcasted_iota(jnp.int32, (1, _W), 1)
    k = lane % _D
    khalf = (k % _HALF).astype(jnp.float32)
    freqs = jnp.exp((-np.log(10000.0) / _HALF) * khalf)
    args = t4 * freqs
    feat = jnp.where(k < _HALF, jnp.sin(args), jnp.cos(args))

    h = jnp.dot(feat, w1_ref[...], preferred_element_type=jnp.float32) + b1_ref[...]
    h = h * jax.nn.sigmoid(h)
    te = jnp.dot(h, w2_ref[...], preferred_element_type=jnp.float32) + b2_ref[...]

    tab = tab_ref[...]
    be = jnp.where(b4 == 0, tab[0:1, :], 0.0)
    for r in range(1, tab.shape[0]):
        be = jnp.where(b4 == float(r), tab[r : r + 1, :], be)
    o_ref[...] = te + be


def kernel(time, band, band_table, W1, b1, W2, b2):
    Bsz, L = time.shape
    N = Bsz * L
    T4 = N // _PACK
    T4b = 2048
    while T4 % T4b:
        T4b //= 2
    nb = band_table.shape[0]

    tf = time.reshape(T4, _PACK).astype(jnp.float32)
    bf = band.reshape(T4, _PACK).astype(jnp.int32)
    eye4 = jnp.eye(_PACK, dtype=jnp.float32)
    W1p = jnp.kron(eye4, W1.astype(jnp.float32))
    W2p = jnp.kron(eye4, W2.astype(jnp.float32))
    b1p = jnp.tile(b1.astype(jnp.float32).reshape(1, _D), (1, _PACK))
    b2p = jnp.tile(b2.astype(jnp.float32).reshape(1, _D), (1, _PACK))
    tabp = jnp.tile(band_table.astype(jnp.float32), (1, _PACK))

    const = lambda i: (0, 0)
    out = pl.pallas_call(
        _fused_body,
        grid=(T4 // T4b,),
        in_specs=[
            pl.BlockSpec((T4b, _PACK), lambda i: (i, 0)),
            pl.BlockSpec((T4b, _PACK), lambda i: (i, 0)),
            pl.BlockSpec((nb, _W), const),
            pl.BlockSpec((_W, _W), const),
            pl.BlockSpec((1, _W), const),
            pl.BlockSpec((_W, _W), const),
            pl.BlockSpec((1, _W), const),
        ],
        out_specs=pl.BlockSpec((T4b, _W), lambda i: (i, 0)),
        out_shape=jax.ShapeDtypeStruct((T4, _W), jnp.float32),
    )(tf, bf, tabp, W1p, b1p, W2p, b2p)
    return out.reshape(Bsz, L, _D)

# --- scband reference (transcript-rebuilt; emitter-appended) ---
"""Pipeline reference for scband-timeband-embedding-51969104282103 (READ-ONLY COPY).

The authoritative reference and input builder live on the scoring server;
editing this copy changes nothing except your own understanding.
"""

import jax, jax.numpy as jnp
import numpy as np

MODEL_DIM = 32
NUM_BANDS = 6
B, L = 4096, 200


def sinusoidal(time, dim):
    half = dim // 2
    freqs = jnp.exp(-jnp.log(10000.0) * jnp.arange(half, dtype=jnp.float32) / half)
    args = time[..., None] * freqs
    return jnp.concatenate([jnp.sin(args), jnp.cos(args)], axis=-1)


def setup_inputs(seed: int = 0) -> dict:
    key = jax.random.key(seed)
    ks = jax.random.split(key, 6)
    D = MODEL_DIM
    time = jax.random.uniform(ks[0], (B, L), dtype=jnp.float32)
    band = jax.random.randint(ks[1], (B, L), 0, NUM_BANDS)
    band_table = jax.random.normal(ks[2], (NUM_BANDS, D), dtype=jnp.float32) * 0.02
    W1 = jax.random.normal(ks[3], (D, D), dtype=jnp.float32) * (1.0 / np.sqrt(D))
    b1 = jnp.zeros((D,), dtype=jnp.float32)
    W2 = jax.random.normal(ks[4], (D, D), dtype=jnp.float32) * (1.0 / np.sqrt(D))
    b2 = jnp.zeros((D,), dtype=jnp.float32)
    return {"time": time, "band": band, "band_table": band_table, "W1": W1, "b1": b1, "W2": W2, "b2": b2}


def reference(time, band, band_table, W1, b1, W2, b2):
    # SinusoidalMLPPositionalEmbedding: sinusoidal features -> 2-layer MLP (SiLU)
    sin_emb = sinusoidal(time, MODEL_DIM)
    time_embd = jax.nn.silu(sin_emb @ W1 + b1) @ W2 + b2
    # band embedding lookup (gather)
    band_embd = jnp.take(band_table, band, axis=0)
    return time_embd + band_embd

if __name__ == "__main__":
    import jax
    _d = setup_inputs()
    print(jax.jit(kernel)(*tuple(_d.values())))

</pallas_src>

<mosaic_0001>
module attributes {stable_mosaic.version = 14 : i64} {
  func.func @_fused_body(%arg0: i32, %arg1: memref<2048x4xf32, #tpu.memory_space<vmem>>, %arg2: memref<2048x4xi32, #tpu.memory_space<vmem>>, %arg3: memref<6x128xf32, #tpu.memory_space<vmem>>, %arg4: memref<128x128xf32, #tpu.memory_space<vmem>>, %arg5: memref<1x128xf32, #tpu.memory_space<vmem>>, %arg6: memref<128x128xf32, #tpu.memory_space<vmem>>, %arg7: memref<1x128xf32, #tpu.memory_space<vmem>>, %arg8: memref<2048x128xf32, #tpu.memory_space<vmem>>) attributes {dimension_semantics = [#tpu.dimension_semantics<arbitrary>], iteration_bounds = array<i64: 100>, scalar_prefetch = 0 : i64, scratch_operands = 0 : i64, tpu.core_type = #tpu.core_type<tc>, window_params = [{transform_indices = @transform_0, window_bounds = array<i64: 2048, 4>}, {transform_indices = @transform_1, window_bounds = array<i64: 2048, 4>}, {pipeline_mode = #tpu.pipeline_mode<synchronous>, transform_indices = @transform_2, window_bounds = array<i64: 6, 128>}, {pipeline_mode = #tpu.pipeline_mode<synchronous>, transform_indices = @transform_3, window_bounds = array<i64: 128, 128>}, {pipeline_mode = #tpu.pipeline_mode<synchronous>, transform_indices = @transform_4, window_bounds = array<i64: 1, 128>}, {pipeline_mode = #tpu.pipeline_mode<synchronous>, transform_indices = @transform_5, window_bounds = array<i64: 128, 128>}, {pipeline_mode = #tpu.pipeline_mode<synchronous>, transform_indices = @transform_6, window_bounds = array<i64: 1, 128>}, {transform_indices = @transform_7, window_bounds = array<i64: 2048, 128>}]} {
    %get3A = arith.constant 0 : index
    %get3A_0 = arith.constant 0 : index
    %get3A_1 = vector.load %arg1[%get3A, %get3A_0] : memref<2048x4xf32, #tpu.memory_space<vmem>>, vector<2048x4xf32>
    %get3A_2 = arith.constant 0 : index
    %get3A_3 = arith.constant 0 : index
    %get3A_4 = vector.load %arg2[%get3A_2, %get3A_3] : memref<2048x4xi32, #tpu.memory_space<vmem>>, vector<2048x4xi32>
    %convert_element_type3A = arith.sitofp %get3A_4 : vector<2048x4xi32> to vector<2048x4xf32>
    %iota3A = tpu.iota {dimensions = array<i32: 1>} : vector<4x128xi32>
    %jit3A = arith.constant 32 : i32
    %div3A = vector.broadcast %jit3A : i32 to vector<4x128xi32>
    %div3A_5 = arith.divsi %iota3A, %div3A : vector<4x128xi32>
    %sign3A = arith.constant 0 : i32
    %sign3A_6 = vector.broadcast %sign3A : i32 to vector<4x128xi32>
    %sign3A_7 = arith.cmpi sgt, %iota3A, %sign3A_6 : vector<4x128xi32>
    %sign3A_8 = arith.extui %sign3A_7 : vector<4x128xi1> to vector<4x128xi32>
    %sign3A_9 = arith.constant 0 : i32
    %sign3A_10 = vector.broadcast %sign3A_9 : i32 to vector<4x128xi32>
    %sign3A_11 = arith.cmpi slt, %iota3A, %sign3A_10 : vector<4x128xi32>
    %sign3A_12 = arith.extui %sign3A_11 : vector<4x128xi1> to vector<4x128xi32>
    %sign3A_13 = arith.subi %sign3A_8, %sign3A_12 : vector<4x128xi32>
    %sign3A_14 = arith.constant 0 : i32
    %sign3A_15 = arith.cmpi sgt, %jit3A, %sign3A_14 : i32
    %sign3A_16 = arith.extui %sign3A_15 : i1 to i32
    %sign3A_17 = arith.constant 0 : i32
    %sign3A_18 = arith.cmpi slt, %jit3A, %sign3A_17 : i32
    %sign3A_19 = arith.extui %sign3A_18 : i1 to i32
    %sign3A_20 = arith.subi %sign3A_16, %sign3A_19 : i32
    %ne3A = vector.broadcast %sign3A_20 : i32 to vector<4x128xi32>
    %ne3A_21 = arith.cmpi ne, %sign3A_13, %ne3A : vector<4x128xi32>
    %rem3A = vector.broadcast %jit3A : i32 to vector<4x128xi32>
    %rem3A_22 = arith.remsi %iota3A, %rem3A : vector<4x128xi32>
    %ne3A_23 = arith.constant 0 : i32
    %ne3A_24 = vector.broadcast %ne3A_23 : i32 to vector<4x128xi32>
    %ne3A_25 = arith.cmpi ne, %rem3A_22, %ne3A_24 : vector<4x128xi32>
    %and3A = arith.andi %ne3A_21, %ne3A_25 : vector<4x128xi1>
    %sub3A = arith.constant 1 : i32
    %sub3A_26 = vector.broadcast %sub3A : i32 to vector<4x128xi32>
    %sub3A_27 = arith.subi %div3A_5, %sub3A_26 : vector<4x128xi32>
    %select_n3A = arith.select %and3A, %sub3A_27, %div3A_5 : vector<4x128xi1>, vector<4x128xi32>
    %iota3A_28 = tpu.iota {dimensions = array<i32: 0>} : vector<4x128xi32>
    %eq3A = arith.cmpi eq, %select_n3A, %iota3A_28 : vector<4x128xi32>
    %convert_element_type3A_29 = arith.extui %eq3A : vector<4x128xi1> to vector<4x128xi32>
    %convert_element_type3A_30 = arith.sitofp %convert_element_type3A_29 : vector<4x128xi32> to vector<4x128xf32>
    %dot_general3A = arith.constant dense<0.000000e+00> : vector<2048x128xf32>
    %dot_general3A_31 = tpu.matmul %get3A_1, %convert_element_type3A_30, %dot_general3A {dimension_numbers = #tpu.dot_dimension_numbers<[1], [0], [0], [1], [0, 0, 1, 1], [], []>, transpose_lhs_hint = false} : vector<2048x4xf32>, vector<4x128xf32>, vector<2048x128xf32> -> vector<2048x128xf32>
    %dot_general3A_32 = arith.constant dense<0.000000e+00> : vector<2048x128xf32>
    %dot_general3A_33 = tpu.matmul %convert_element_type3A, %convert_element_type3A_30, %dot_general3A_32 {dimension_numbers = #tpu.dot_dimension_numbers<[1], [0], [0], [1], [0, 0, 1, 1], [], []>, transpose_lhs_hint = false} : vector<2048x4xf32>, vector<4x128xf32>, vector<2048x128xf32> -> vector<2048x128xf32>
    %iota3A_34 = tpu.iota {dimensions = array<i32: 1>} : vector<1x128xi32>
    %jit3A_35 = arith.constant 32 : i32
    %eq3A_36 = arith.constant 0 : i32
    %eq3A_37 = arith.cmpi eq, %jit3A_35, %eq3A_36 : i32
    %jit3A_38 = arith.constant 1 : i32
    %select_n3A_39 = arith.select %eq3A_37, %jit3A_38, %jit3A_35 : i32
    %rem3A_40 = vector.broadcast %select_n3A_39 : i32 to vector<1x128xi32>
    %rem3A_41 = arith.remsi %iota3A_34, %rem3A_40 : vector<1x128xi32>
    %ne3A_42 = arith.constant 0 : i32
    %ne3A_43 = vector.broadcast %ne3A_42 : i32 to vector<1x128xi32>
    %ne3A_44 = arith.cmpi ne, %rem3A_41, %ne3A_43 : vector<1x128xi32>
    %lt3A = arith.constant 0 : i32
    %lt3A_45 = vector.broadcast %lt3A : i32 to vector<1x128xi32>
    %lt3A_46 = arith.cmpi slt, %rem3A_41, %lt3A_45 : vector<1x128xi32>
    %lt3A_47 = arith.constant 0 : i32
    %lt3A_48 = arith.cmpi slt, %select_n3A_39, %lt3A_47 : i32
    %ne3A_49 = vector.broadcast %lt3A_48 : i1 to vector<1x128xi1>
    %ne3A_50 = vector.broadcast %ne3A_49 : vector<1x128xi1> to vector<1x128xi1>
    %ne3A_51 = arith.xori %lt3A_46, %ne3A_50 : vector<1x128xi1>
    %and3A_52 = arith.andi %ne3A_51, %ne3A_44 : vector<1x128xi1>
    %add3A = vector.broadcast %select_n3A_39 : i32 to vector<1x128xi32>
    %add3A_53 = arith.addi %rem3A_41, %add3A : vector<1x128xi32>
    %select_n3A_54 = arith.select %and3A_52, %add3A_53, %rem3A_41 : vector<1x128xi1>, vector<1x128xi32>
    %jit3A_55 = arith.constant 16 : i32
    %eq3A_56 = arith.constant 0 : i32
    %eq3A_57 = arith.cmpi eq, %jit3A_55, %eq3A_56 : i32
    %jit3A_58 = arith.constant 1 : i32
    %select_n3A_59 = arith.select %eq3A_57, %jit3A_58, %jit3A_55 : i32
    %rem3A_60 = vector.broadcast %select_n3A_59 : i32 to vector<1x128xi32>
    %rem3A_61 = arith.remsi %select_n3A_54, %rem3A_60 : vector<1x128xi32>
    %ne3A_62 = arith.constant 0 : i32
    %ne3A_63 = vector.broadcast %ne3A_62 : i32 to vector<1x128xi32>
    %ne3A_64 = arith.cmpi ne, %rem3A_61, %ne3A_63 : vector<1x128xi32>
    %lt3A_65 = arith.constant 0 : i32
    %lt3A_66 = vector.broadcast %lt3A_65 : i32 to vector<1x128xi32>
    %lt3A_67 = arith.cmpi slt, %rem3A_61, %lt3A_66 : vector<1x128xi32>
    %lt3A_68 = arith.constant 0 : i32
    %lt3A_69 = arith.cmpi slt, %select_n3A_59, %lt3A_68 : i32
    %ne3A_70 = vector.broadcast %lt3A_69 : i1 to vector<1x128xi1>
    %ne3A_71 = vector.broadcast %ne3A_70 : vector<1x128xi1> to vector<1x128xi1>
    %ne3A_72 = arith.xori %lt3A_67, %ne3A_71 : vector<1x128xi1>
    %and3A_73 = arith.andi %ne3A_72, %ne3A_64 : vector<1x128xi1>
    %add3A_74 = vector.broadcast %select_n3A_59 : i32 to vector<1x128xi32>
    %add3A_75 = arith.addi %rem3A_61, %add3A_74 : vector<1x128xi32>
    %select_n3A_76 = arith.select %and3A_73, %add3A_75, %rem3A_61 : vector<1x128xi1>, vector<1x128xi32>
    %convert_element_type3A_77 = arith.sitofp %select_n3A_76 : vector<1x128xi32> to vector<1x128xf32>
    %mul3A = arith.constant -0.575646281 : f32
    %mul3A_78 = vector.broadcast %mul3A : f32 to vector<1x128xf32>
    %mul3A_79 = arith.mulf %mul3A_78, %convert_element_type3A_77 : vector<1x128xf32>
    %exp3A = math.exp %mul3A_79 : vector<1x128xf32>
    %mul3A_80 = vector.broadcast %exp3A : vector<1x128xf32> to vector<2048x128xf32>
    %mul3A_81 = arith.mulf %dot_general3A_31, %mul3A_80 : vector<2048x128xf32>
    %lt3A_82 = arith.constant 16 : i32
    %lt3A_83 = vector.broadcast %lt3A_82 : i32 to vector<1x128xi32>
    %lt3A_84 = arith.cmpi slt, %select_n3A_54, %lt3A_83 : vector<1x128xi32>
    %sin3A = math.sin %mul3A_81 : vector<2048x128xf32>
    %cos3A = math.cos %mul3A_81 : vector<2048x128xf32>
    %broadcast_in_dim3A = vector.shape_cast %lt3A_84 : vector<1x128xi1> to vector<1x128xi1>
    %broadcast_in_dim3A_85 = vector.broadcast %broadcast_in_dim3A : vector<1x128xi1> to vector<2048x128xi1>
    %select_n3A_86 = arith.select %broadcast_in_dim3A_85, %sin3A, %cos3A : vector<2048x128xi1>, vector<2048x128xf32>
    %get3A_87 = arith.constant 0 : index
    %get3A_88 = arith.constant 0 : index
    %get3A_89 = vector.load %arg4[%get3A_87, %get3A_88] : memref<128x128xf32, #tpu.memory_space<vmem>>, vector<128x128xf32>
    %dot_general3A_90 = arith.constant dense<0.000000e+00> : vector<2048x128xf32>
    %dot_general3A_91 = tpu.matmul %select_n3A_86, %get3A_89, %dot_general3A_90 {dimension_numbers = #tpu.dot_dimension_numbers<[1], [0], [0], [1], [0, 0, 1, 1], [], []>, transpose_lhs_hint = false} : vector<2048x128xf32>, vector<128x128xf32>, vector<2048x128xf32> -> vector<2048x128xf32>
    %get3A_92 = arith.constant 0 : index
    %get3A_93 = arith.constant 0 : index
    %get3A_94 = vector.load %arg5[%get3A_92, %get3A_93] : memref<1x128xf32, #tpu.memory_space<vmem>>, vector<1x128xf32>
    %add3A_95 = vector.broadcast %get3A_94 : vector<1x128xf32> to vector<2048x128xf32>
    %add3A_96 = arith.addf %dot_general3A_91, %add3A_95 : vector<2048x128xf32>
    %logistic3A = arith.negf %add3A_96 : vector<2048x128xf32>
    %logistic3A_97 = math.exp %logistic3A : vector<2048x128xf32>
    %logistic3A_98 = arith.constant 1.000000e+00 : f32
    %logistic3A_99 = vector.broadcast %logistic3A_98 : f32 to vector<2048x128xf32>
    %logistic3A_100 = arith.addf %logistic3A_99, %logistic3A_97 : vector<2048x128xf32>
    %logistic3A_101 = arith.divf %logistic3A_99, %logistic3A_100 : vector<2048x128xf32>
    %mul3A_102 = arith.mulf %add3A_96, %logistic3A_101 : vector<2048x128xf32>
    %get3A_103 = arith.constant 0 : index
    %get3A_104 = arith.constant 0 : index
    %get3A_105 = vector.load %arg6[%get3A_103, %get3A_104] : memref<128x128xf32, #tpu.memory_space<vmem>>, vector<128x128xf32>
    %dot_general3A_106 = arith.constant dense<0.000000e+00> : vector<2048x128xf32>
    %dot_general3A_107 = tpu.matmul %mul3A_102, %get3A_105, %dot_general3A_106 {dimension_numbers = #tpu.dot_dimension_numbers<[1], [0], [0], [1], [0, 0, 1, 1], [], []>, transpose_lhs_hint = false} : vector<2048x128xf32>, vector<128x128xf32>, vector<2048x128xf32> -> vector<2048x128xf32>
    %get3A_108 = arith.constant 0 : index
    %get3A_109 = arith.constant 0 : index
    %get3A_110 = vector.load %arg7[%get3A_108, %get3A_109] : memref<1x128xf32, #tpu.memory_space<vmem>>, vector<1x128xf32>
    %add3A_111 = vector.broadcast %get3A_110 : vector<1x128xf32> to vector<2048x128xf32>
    %add3A_112 = arith.addf %dot_general3A_107, %add3A_111 : vector<2048x128xf32>
    %get3A_113 = arith.constant 0 : index
    %get3A_114 = arith.constant 0 : index
    %get3A_115 = vector.load %arg3[%get3A_113, %get3A_114] : memref<6x128xf32, #tpu.memory_space<vmem>>, vector<6x128xf32>
    %eq3A_116 = arith.constant 0.000000e+00 : f32
    %eq3A_117 = vector.broadcast %eq3A_116 : f32 to vector<2048x128xf32>
    %eq3A_118 = arith.cmpf oeq, %dot_general3A_33, %eq3A_117 : vector<2048x128xf32>
    %slice3A = vector.extract_strided_slice %get3A_115 {offsets = [0, 0], sizes = [1, 128], strides = [1, 1]} : vector<6x128xf32> to vector<1x128xf32>
    %jit3A_119 = arith.constant 0.000000e+00 : f32
    %broadcast_in_dim3A_120 = vector.shape_cast %slice3A : vector<1x128xf32> to vector<1x128xf32>
    %broadcast_in_dim3A_121 = vector.broadcast %broadcast_in_dim3A_120 : vector<1x128xf32> to vector<2048x128xf32>
    %broadcast_in_dim3A_122 = vector.broadcast %jit3A_119 : f32 to vector<2048x128xf32>
    %select_n3A_123 = arith.select %eq3A_118, %broadcast_in_dim3A_121, %broadcast_in_dim3A_122 : vector<2048x128xi1>, vector<2048x128xf32>
    %eq3A_124 = arith.constant 1.000000e+00 : f32
    %eq3A_125 = vector.broadcast %eq3A_124 : f32 to vector<2048x128xf32>
    %eq3A_126 = arith.cmpf oeq, %dot_general3A_33, %eq3A_125 : vector<2048x128xf32>
    %slice3A_127 = vector.extract_strided_slice %get3A_115 {offsets = [1, 0], sizes = [1, 128], strides = [1, 1]} : vector<6x128xf32> to vector<1x128xf32>
    %broadcast_in_dim3A_128 = vector.shape_cast %slice3A_127 : vector<1x128xf32> to vector<1x128xf32>
    %broadcast_in_dim3A_129 = vector.broadcast %broadcast_in_dim3A_128 : vector<1x128xf32> to vector<2048x128xf32>
    %select_n3A_130 = arith.select %eq3A_126, %broadcast_in_dim3A_129, %select_n3A_123 : vector<2048x128xi1>, vector<2048x128xf32>
    %eq3A_131 = arith.constant 2.000000e+00 : f32
    %eq3A_132 = vector.broadcast %eq3A_131 : f32 to vector<2048x128xf32>
    %eq3A_133 = arith.cmpf oeq, %dot_general3A_33, %eq3A_132 : vector<2048x128xf32>
    %slice3A_134 = vector.extract_strided_slice %get3A_115 {offsets = [2, 0], sizes = [1, 128], strides = [1, 1]} : vector<6x128xf32> to vector<1x128xf32>
    %broadcast_in_dim3A_135 = vector.shape_cast %slice3A_134 : vector<1x128xf32> to vector<1x128xf32>
    %broadcast_in_dim3A_136 = vector.broadcast %broadcast_in_dim3A_135 : vector<1x128xf32> to vector<2048x128xf32>
    %select_n3A_137 = arith.select %eq3A_133, %broadcast_in_dim3A_136, %select_n3A_130 : vector<2048x128xi1>, vector<2048x128xf32>
    %eq3A_138 = arith.constant 3.000000e+00 : f32
    %eq3A_139 = vector.broadcast %eq3A_138 : f32 to vector<2048x128xf32>
    %eq3A_140 = arith.cmpf oeq, %dot_general3A_33, %eq3A_139 : vector<2048x128xf32>
    %slice3A_141 = vector.extract_strided_slice %get3A_115 {offsets = [3, 0], sizes = [1, 128], strides = [1, 1]} : vector<6x128xf32> to vector<1x128xf32>
    %broadcast_in_dim3A_142 = vector.shape_cast %slice3A_141 : vector<1x128xf32> to vector<1x128xf32>
    %broadcast_in_dim3A_143 = vector.broadcast %broadcast_in_dim3A_142 : vector<1x128xf32> to vector<2048x128xf32>
    %select_n3A_144 = arith.select %eq3A_140, %broadcast_in_dim3A_143, %select_n3A_137 : vector<2048x128xi1>, vector<2048x128xf32>
    %eq3A_145 = arith.constant 4.000000e+00 : f32
    %eq3A_146 = vector.broadcast %eq3A_145 : f32 to vector<2048x128xf32>
    %eq3A_147 = arith.cmpf oeq, %dot_general3A_33, %eq3A_146 : vector<2048x128xf32>
    %slice3A_148 = vector.extract_strided_slice %get3A_115 {offsets = [4, 0], sizes = [1, 128], strides = [1, 1]} : vector<6x128xf32> to vector<1x128xf32>
    %broadcast_in_dim3A_149 = vector.shape_cast %slice3A_148 : vector<1x128xf32> to vector<1x128xf32>
    %broadcast_in_dim3A_150 = vector.broadcast %broadcast_in_dim3A_149 : vector<1x128xf32> to vector<2048x128xf32>
    %select_n3A_151 = arith.select %eq3A_147, %broadcast_in_dim3A_150, %select_n3A_144 : vector<2048x128xi1>, vector<2048x128xf32>
    %eq3A_152 = arith.constant 5.000000e+00 : f32
    %eq3A_153 = vector.broadcast %eq3A_152 : f32 to vector<2048x128xf32>
    %eq3A_154 = arith.cmpf oeq, %dot_general3A_33, %eq3A_153 : vector<2048x128xf32>
    %slice3A_155 = vector.extract_strided_slice %get3A_115 {offsets = [5, 0], sizes = [1, 128], strides = [1, 1]} : vector<6x128xf32> to vector<1x128xf32>
    %broadcast_in_dim3A_156 = vector.shape_cast %slice3A_155 : vector<1x128xf32> to vector<1x128xf32>
    %broadcast_in_dim3A_157 = vector.broadcast %broadcast_in_dim3A_156 : vector<1x128xf32> to vector<2048x128xf32>
    %select_n3A_158 = arith.select %eq3A_154, %broadcast_in_dim3A_157, %select_n3A_151 : vector<2048x128xi1>, vector<2048x128xf32>
    %add3A_159 = arith.addf %add3A_112, %select_n3A_158 : vector<2048x128xf32>
    %swap3A = arith.constant 0 : index
    %swap3A_160 = arith.constant 0 : index
    %swap3A_161 = vector.load %arg8[%swap3A, %swap3A_160] : memref<2048x128xf32, #tpu.memory_space<vmem>>, vector<2048x128xf32>
    tpu.vector_store %arg8[%swap3A, %swap3A_160], %add3A_159 {strides = array<i32>} : memref<2048x128xf32, #tpu.memory_space<vmem>>, vector<2048x128xf32>,
    return
  }
  func.func @transform_0(%arg0: i32) -> (i32, i32) {
    %c0_i32 = arith.constant 0 : i32
    %c0_i32_0 = arith.constant 0 : i32
    return %arg0, %c0_i32 : i32, i32
  }
  func.func @transform_1(%arg0: i32) -> (i32, i32) {
    %c0_i32 = arith.constant 0 : i32
    %c0_i32_0 = arith.constant 0 : i32
    return %arg0, %c0_i32 : i32, i32
  }
  func.func @transform_2(%arg0: i32) -> (i32, i32) {
    %c0_i32 = arith.constant 0 : i32
    %c0_i32_0 = arith.constant 0 : i32
    %c0_i32_1 = arith.constant 0 : i32
    return %c0_i32, %c0_i32_0 : i32, i32
  }
  func.func @transform_3(%arg0: i32) -> (i32, i32) {
    %c0_i32 = arith.constant 0 : i32
    %c0_i32_0 = arith.constant 0 : i32
    %c0_i32_1 = arith.constant 0 : i32
    return %c0_i32, %c0_i32_0 : i32, i32
  }
  func.func @transform_4(%arg0: i32) -> (i32, i32) {
    %c0_i32 = arith.constant 0 : i32
    %c0_i32_0 = arith.constant 0 : i32
    %c0_i32_1 = arith.constant 0 : i32
    return %c0_i32, %c0_i32_0 : i32, i32
  }
  func.func @transform_5(%arg0: i32) -> (i32, i32) {
    %c0_i32 = arith.constant 0 : i32
    %c0_i32_0 = arith.constant 0 : i32
    %c0_i32_1 = arith.constant 0 : i32
    return %c0_i32, %c0_i32_0 : i32, i32
  }
  func.func @transform_6(%arg0: i32) -> (i32, i32) {
    %c0_i32 = arith.constant 0 : i32
    %c0_i32_0 = arith.constant 0 : i32
    %c0_i32_1 = arith.constant 0 : i32
    return %c0_i32, %c0_i32_0 : i32, i32
  }
  func.func @transform_7(%arg0: i32) -> (i32, i32) {
    %c0_i32 = arith.constant 0 : i32
    %c0_i32_0 = arith.constant 0 : i32
    return %arg0, %c0_i32 : i32, i32
  }
}

</mosaic_0001>

<sc_bundles>
// kernel: sparse-core-data-format-call.cloned.1.call-start
scs
called_computation_lowered:
.L_overlay_start_0:
0x0: {  	s2 =	sld [smem:$0x3FD9]  }
0x1: {  	s3 =	sld [smem:$0x3FFE];
	_ =	sdelay $0x1  }
0x2: {  	s1 =	srdreg.scid  }
0x3: {  	s0 =	sand.u32 $0x1, s1  }
0x4: {  	s18 =	sshll.u32 s0, $0xA;
	s2 =	sadd.s32 s3, s2  }
0x5: {  	s2 =	sadd.s32 s2, s18  }
0x6: {  	[smem:$0x3FC1] =	sst s2  }
0x7: {  	_ = 	snop  }
0x8: {  	s2 =	sld [smem:$0x3FD0];
	(tm) =	ssettm $0x1  }
0x9: {  	s19 =	sld [smem:$0x3FFB];
	_ =	sdelay $0x3  }
0xa: {  	_ =	strace s19  }
0xb: {  	s3 =	sld [smem:$0x3FFC];
	_ =	sdelay $0x3  }
0xc: {  	_ =	strace s3  }
0xd: {  	s3 =	sld [smem:$0x3FFD];
	_ =	sdelay $0x3  }
0xe: {  	_ =	strace s3  }
0xf: {  	_ =	strace $0x8FFFFFFF  }
0x10: {  	s20 =	sld [smem:$0x3FDB];
	_ =	sdelay $0x1  }
0x11: {  	s4 =	simm.s32 $_scs_section_size  }
0x12: {  	s5 =	simm.s32 $_size__tile_overlayer_lowered;
	s6 =	simm.s32 $_tile_overlayer_lowered  }
0x13: {  	s23 =	simm.s32 $0x1BFF;
	s22 =	sshll.u32 s6, $0x1;
	s3 =	sadd.s32 s4, s20  }
0x14: {  	s7 =	simm.s32 $0x0;
	s21 =	sshll.u32 s5, $0x1;
	s5 =	sadd.s32 s22, s3  }
0x15: {  	[timem:s7], [sflag:s23] =	dma.local [hbm:s5], s21  }
0x16: {  	_ =	swait.ge [sflag:s23], s21  }
0x17: {  	s4 =	ssub.s32 $0x0, s21;
	[sflag:s23] =	ssyncset.done $0x0  }
0x18: {  	[sflag:s23] =	ssyncadd.s32 s4;
	_ =	sdelay $0x1  }
0x19: {  	s24 =	simm.s32 $0x1B8B  }
0x1a: {  	_ =	swait.ge [sflag:s24], $0x1  }
0x1b: {  	[sflag:s24] =	ssyncset.done $0x0  }
0x1c: {  	s26 =	simm.s32 $0x1B8E;
	s25 =	sld [smem:$0x3FFE];
	[sflag:s24] =	ssyncadd.s32 $0xFFFFFFFF  }
0x1d: {  	s27 =	simm.s32 $execute0_lowered;
	[smem:$0x3FD2] =	sst s26  }
0x1e: {  	s5 =	sshll.u32 s27, $0x1;
	_ =	strace $0x80000046;
	[dreg:$0x1] =	wrdreg $0xFFFFFFFF  }
0x1f: {  	s28 =	simm.s32 $_size_execute0_lowered;
	s3 =	sadd.s32 s3, s5;
	[dreg:$0x0] =	wrdreg $0x0  }
0x20: {  	s5 =	sshll.u32 s28, $0x1;
	[dreg:$0x2] =	wrdreg s3  }
0x21: {  	[dreg:$0x3] =	wrdreg s5  }
0x22: {  	[dreg:$0x4] =	wrdreg $0xC0  }
0x23: {  	_ =	task [dreg:s7], $0x5FFFF  }
0x24: {  	[dreg:$0x1] =	wrdreg $0xFFFFFFFF  }
0x25: {  	[dreg:$0x0] =	wrdreg $0x60  }
0x26: {  	[dreg:$0x2] =	wrdreg s25  }
0x27: {  	[dreg:$0x3] =	wrdreg s2  }
0x28: {  	[dreg:$0x4] =	wrdreg $0x9  }
0x29: {  	_ =	task.clear_ibuf [dreg:s7], $0x5FFFF;
	_ =	strace $0x90000046  }
0x2a: {  	s29 =	simm.s32 $0x9;
	_ =	strace $0x80000048  }
0x2b: {  	_ =	swait.ge [sflag:s29], $0x1  }
0x2c: {  	[sflag:s29] =	ssyncadd.s32 $0xFFFFFFFF  }
0x2d: {  	_ =	strace $0x90000048  }
0x2e: {  	_ =	sfence  }
0x2f: {  	s30 =	sld [smem:$0x0];
	_ =	sdelay $0x2  }
0x30: {  	s31 =	sshll.u32 s1, $0xD;
	s1 =	sshrl.u32 s1, $0x2  }
0x31: {  	s3 =	sand.u32 $0x4000, s31;
	s1 =	sadd.s32 s1, s30  }
0x32: {  	s0 =	sor.u32 s3, s0;
	s1 =	sshll.u32 s1, $0x11  }
0x33: {  	s0 =	sor.u32 s1, s0  }
0x34: {  	s0 =	sadd.s32 $0x8F2B, s0  }
0x35: {  	[sflag:s0] =	ssyncadd.remote.s32 $0x1  }
0x36: {  	_ =	sfence.sel $0xFFFF  }
0x37: {  	[dreg:$0x0] =	wrdreg $0xFFFFFFFF;
	(pc) =	sbr.abs _section_cstart, $3  }
0x38: {  	[dreg:$0x1] =	wrdreg $0xFFFFFFFF  }
0x39: {  	_ =	task.clear_ibuf [dreg:s7], $0x2FFFF;
	_ =	strace $0x9FFFFFFF  }
0x3a: {  	(tm) =	ssettm $0x7FFFFFFF  }
0x3b: {  	_ =	shalt  }
tec
execute0_lowered:
.L_overlay_start_1:
0x0: {  	(tag) =	ssettag $0x1  }
0x1: {  	s0 =	srdreg.scid  }
0x2: {  	s1 =	sshll.u32 s0, $0x4  }
0x3: {  	s0 =	stileid.u32;
	s1 =	sand.u32 $0x10, s1  }
0x4: {  	s1 =	sor.u32 s0, s1  }
0x5: {  	s6 =	rddreg [dreg:$0x0];
	s4 =	simm.s32 $0x1;
	s2 =	sshll.u32 s1, $0x7  }
0x6: {  	s7 =	simm.s32 $0x2;
	s12 =	simm.s32 $0x0;
	s1 =	ssub.s32 $0x1000, s2  }
0x7: {  	s8 =	simm.s32 $0x8000;
	s13 =	simm.s32 $0x0;
	s3 =	sand.u32 $0xF80, s1  }
0x8: {  	s9 =	simm.s32 $0x0;
	s5 =	sshrl.u32 s1, $0xC;
	p0 =	sne.s32 s3, $0x0  }
.Ltmp0:
0x9: {  	s1 =	rddreg [dreg:$0x2];
	s4 =	simm.s32 @!p0 $0x0;
	(pc) =	sbr.rel .LBB1_1-.Ltmp0, $4  }
0xa: {  	s11 =	simm.s32 $0x0;
	s3 =	rddreg [dreg:$0x1];
	s5 =	sadd.s32 s4, s5  }
0xb: {  	_ =	strace $0x80000047;
	s4 =	simm.s32 $0x1;
	s5 =	smul.u32 $0xC8, s5  }
0xc: {  	s6 =	sadd.s32 $0x640600, s6;
	s10 =	smov.u32 s2;
	[sflag:s4] =	ssyncpa.u1 $0x0  }
0xd: {  	p0 =	por $0x0, $0x0;
	[sflag:s7] =	ssyncpa.u1 $0x0;
	s7 =	sor.u32 $0x1, s5  }
.LBB1_4:
0xe: {  	s16 =	sshll.u32 s13, $0x3;
	s17 =	sand.u32 $0x78, s13  }
0xf: {  	s30 =	sand.u32 $0x3E00, s13;
	s12 =	sshll.u32 s12, $0xE;
	s16 =	sand.u32 $0xC00, s16  }
0x10: {  	s31 =	sand.u32 $0x7, s13;
	s16 =	sor.u32 s17, s16;
	s17 =	sadd.s32 s3, s30  }
0x11: {  	s13 =	sshll.u32 s31, $0x12;
	s16 =	sshrl.u32 s16, $0x3;
	s12 =	sadd.s32 s12, s17  }
0x12: {  	[tilespmem:s15+$0x0 ss:$0x81] =	vst.msk $0xffff, v0;
	s13 =	sor.u32 $0x400, s13;
	s12 =	sadd.s32 s16, s12  }
0x13: {  	[hbm4b:s12+s13] =	stream.strided.scatter [tilespmem:s14], [sflag:$0x2], $0x1000, s8, s13, $0x20;
	[tilespmem:$0x4040] =	vst v63  }
.LBB1_5:
0x14: {  	s14 =	sadd.s32 $0x1, s9  }
0x15: {  	s12 =	sadd.s32 $0x1000, s10;
	s16 =	smov.u32 s10;
	p2 =	sgt.s32 s14, $0xC7  }
0x16: {  	s16 =	smov.u32 @p2 s12  }
0x17: {  	s14 =	simm.s32 @p2 $0x0;
	p2 =	sgt.s32 s16, $0xFFF  }
0x18: {  	s16 =	smov.u32 @p2 s2;
	p2 =	sne.s32 s11, s7  }
.Ltmp1:
0x19: {  	p1 =	slt.u32 s11, $0x2;
	(pc) =	sbr.rel @!p2 .LBB1_6-.Ltmp1, $4  }
0x1a: {  	s15 =	simm.s32 @!p1 $0x2  }
0x1b: {  	s13 =	smov.u32 s10;
	p0 =	por !p0, !p0;
	_ =	swait.ge @!p1 [sflag:s15], $0x1000  }
0x1c: {  	s12 =	smov.u32 s9;
	[sflag:s15] =	ssyncset.done @!p1 $0x0;
	s9 =	smov.u32 s14  }
0x1d: {  	s11 =	sadd.s32 $0x1, s11;
	[sflag:s15] =	ssyncadd.s32 @!p1 $0xFFFFF000;
	s10 =	smov.u32 s16  }
.LBB1_1:
0x1e: {  	p1 =	sge.u32 s11, s5  }
0x1f: {  	s14 =	sand.u32 @!p1 $0x1FFFFFF, s9  }
0x20: {  	s15 =	smulhi.u32 @!p1 $0x147AE15, s14;
	_ =	sdelay $0x1  }
0x21: {  	s15 =	smul.u32 @!p1 $0xC8, s15  }
0x22: {  	s16 =	sxor.u32 @!p1 $0xFFFFFFFF, s11;
	s17 =	smul.u32 @!p1 $0xC80, s10  }
0x23: {  	s31 =	sadd.s32 $0xFFFFFFFF, s11;
	s16 =	sshll.u32 @!p1 s16, $0xC;
	s14 =	ssub.s32 @!p1 s14, s15  }
0x24: {  	s15 =	sand.u32 @!p1 $0x1000, s16;
	s16 =	sadd.s32 @!p1 s6, s17;
	s14 =	sshll.u32 @!p1 s14, $0x4  }
0x25: {  	s17 =	simm.s32 @!p1 $0x6400;
	s14 =	sadd.s32 @!p1 s14, s16;
	s16 =	simm.s32 @!p1 $0x20  }
0x26: {  	[tilespmem:s15], [sflag:$0x1] =	stream.strided.gather @!p1 [hbm4b:s14+s16], $0x1000, s17, s16, $0x38;
	[tilespmem:$0x4040] =	vst v63  }
0x27: {  	p1 =	sge.u32 s31, s5  }
.Ltmp2:
0x28: {  	_ = 	snop;
	(pc) =	sbr.rel @p1 .LBB1_5-.Ltmp2, $1  }
0x29: {  	_ =	sdelay $0x3  }
0x2a: {  	s14 =	simm.s32 $0x1  }
0x2b: {  	_ =	swait.ge [sflag:s4], $0x1000;
	s14 =	simm.s32 @!p0 $0x0  }
0x2c: {  	[sflag:s4] =	ssyncset.done $0x0;
	s15 =	sshll.u32 s14, $0xC  }
0x2d: {  	[sflag:s4] =	ssyncadd.s32 $0xFFFFF000;
	s18 =	sor.u32 $0x10, s15  }
0x2e: {  	s14 =	smul.u32 $0x4080, s14;
	v1 =	vld [tilespmem:s18+$0x0]  }
0x2f: {  	s30 =	sand.u32 $0x1, s11;
	v0 =	vld [tilespmem:s18+$0xFFFFFFF0]  }
0x30: {  	s15 =	smul.u32 $0x4080, s30;
	s14 =	sshrl.u32 s14, $0x2  }
0x31: {  	s16 =	sor.u32 $0x2000, s14  }
0x32: {  	s31 =	sshrl.u32 s15, $0x2;
	s15 =	sadd.s32 $0x0, s16  }
0x33: {  	s17 =	simm.s32 $0x4;
	s18 =	sadd.s32 $0x20, s18;
	s14 =	sor.u32 $0x2000, s31;
	[tilespmem:s15+$0x810 ss:$0x81] =	vst.msk $0xffff, v1  }
.LBB1_3:
0x34: {  	v1 =	vld [tilespmem:s18+$0x0];
	p1 =	sne.s32 s17, $0x1FC;
	[tilespmem:s15+$0x0 ss:$0x81] =	vst.msk $0xffff, v0;
	s15 =	smov.u32 s17;
	s17 =	sadd.s32 $0x4, s17  }
.Ltmp3:
0x35: {  	v0 =	vld [tilespmem:s18+$0xFFFFFFF0];
	(pc) =	sbr.rel @p1 .LBB1_3-.Ltmp3, $4  }
0x36: {  	_ = 	snop  }
0x37: {  	s15 =	sshra.s32 s15, $0x2  }
0x38: {  	s15 =	sadd.s32 s15, s16  }
0x39: {  	s18 =	sadd.s32 $0x20, s18;
	[tilespmem:s15+$0x810 ss:$0x81] =	vst.msk $0xffff, v1  }
.Ltmp4:
0x3a: {  	_ = 	snop;
	(pc) =	sbr.rel .LBB1_4-.Ltmp4, $1  }
0x3b: {  	_ =	sdelay $0x3  }
.LBB1_6:
0x3c: {  	_ =	sfence.sel $0x180000  }
0x3d: {  	s2 =	simm.s32 $0x1;
	[bflag:$0x0] =	sbarrier.arrive $0xFFFF  }
0x3e: {  	s31 =	simm.s32 $0x2;
	[sflag:s2] =	ssyncpa.u1 $0x1  }
0x3f: {  	[sflag:s31] =	ssyncpa.u1 $0x1  }
0x40: {  	p0 =	sne.s32 s0, $0x0;
	_ =	strace $0x90000047  }
0x41: {  	s0 =	sadd.s32 @!p0 $0x100000, s1;
	[bflag:$0x2] =	sbarrier.arrive $0xFFFF  }
0x42: {  	[sflag:s0] =	ssyncadd.tile.s32 @!p0 $0x1;
	_ =	shalt  }
.Lfunc_end1:
_tile_overlayer_lowered:
.L_overlay_start_2:
0x43: {  	(tag) =	ssettag $0x2  }
0x44: {  	s0 =	rddreg [dreg:$0x0];
	s2 =	stileid.u32  }
0x45: {  	s1 =	rddreg [dreg:$0x1];
	p0 =	sne.s32 s2, $0x0  }
0x46: {  	s3 =	rddreg [dreg:$0x2];
	[bflag:$0x3] =	sbarrier.arrive $0xFFFF;
	s2 =	simm.s32 @!p0 $0x1C01  }
0x47: {  	[timem:s3], [sflag:s2] =	dma.local @!p0 [hbm:s0], s1  }
0x48: {  	s0 =	simm.s32 @!p0 $0x1  }
0x49: {  	_ =	swait.ge @!p0 [sflag:s0], s1  }
0x4a: {  	s1 =	ssub.s32 @!p0 $0x0, s1;
	[sflag:s0] =	ssyncset.done @!p0 $0x0  }
0x4b: {  	[sflag:s0] =	ssyncadd.s32 @!p0 s1  }
0x4c: {  	[bflag:$0x3] =	sbarrier.arrive $0xFFFF  }
0x4d: {  	_ =	shalt  }

</sc_bundles>
